<compile_context>
chip_gen: v7x
topology: tpu7x:2x2x1
jax: 0.10.2.dev20260603
libtpu: 0.0.44.dev20260713+nightly
codegen_flags: <defaults>
</compile_context>

<pallas_src>
import jax
import jax.numpy as jnp
from jax.experimental import pallas as pl
from jax.experimental.pallas import tpu as pltpu

N = 4096
N1 = 2048
N2 = 512
K = 128
R1, R2 = 0.2, 0.5
NQ = 4096


def _mm(a, b):
    return jax.lax.dot_general(a, b, (((1,), (0,)), ((), ())))



def _fps_body(pos_ref, idx_ref):
    n = pos_ref.shape[1]
    n_samples = idx_ref.shape[0]
    px = pos_ref[0:1, :]
    py = pos_ref[1:2, :]
    pz = pos_ref[2:3, :]
    lane = jax.lax.broadcasted_iota(jnp.int32, (1, n), 1)

    idx_ref[0] = 0
    m0 = (lane == 0).astype(jnp.float32)
    lx0 = jnp.sum(px * m0)
    ly0 = jnp.sum(py * m0)
    lz0 = jnp.sum(pz * m0)
    dists0 = jnp.full((1, n), jnp.inf, dtype=jnp.float32)

    def body(i, state):
        lx, ly, lz, dists = state
        d = (px - lx) ** 2 + (py - ly) ** 2 + (pz - lz) ** 2
        dists = jnp.minimum(dists, d)
        nxt = jnp.argmax(dists).astype(jnp.int32)
        idx_ref[i] = nxt
        m = (lane == nxt).astype(jnp.float32)
        return (jnp.sum(px * m), jnp.sum(py * m), jnp.sum(pz * m), dists)

    jax.lax.fori_loop(1, n_samples, body, (lx0, ly0, lz0, dists0))


def _fps(pos, n_samples):
    n = pos.shape[0]
    pos_t = jnp.zeros((4, n), jnp.float32).at[:3, :].set(pos.T)
    return pl.pallas_call(
        _fps_body,
        in_specs=[pl.BlockSpec(memory_space=pltpu.VMEM)],
        out_specs=pl.BlockSpec(memory_space=pltpu.SMEM),
        out_shape=jax.ShapeDtypeStruct((n_samples,), jnp.int32),
    )(pos_t)



def _radius_nn(pos_src, pos_q, r, k):
    d2 = jnp.sum((pos_q[:, None, :] - pos_src[None, :, :]) ** 2, axis=-1)
    neg = jnp.where(d2 <= r * r, -d2, -jnp.inf)
    vals, nbr = jax.lax.top_k(neg, k)
    valid = vals > -jnp.inf
    return jnp.where(valid, nbr, 0).astype(jnp.int32), valid



def _sdf_block_kernel(z_ref, q_ref, w1a_ref, w1b_ref, b1_ref, w2_ref, b2_ref,
                      w3a_ref, w3b_ref, b3_ref, w4_ref, b4_ref, o_ref):
    q = q_ref[...]
    z = z_ref[...]
    h = _mm(z, w1a_ref[...]) + _mm(q, w1b_ref[...]) + b1_ref[...]
    h = jax.nn.relu(h)
    h = _mm(h, w2_ref[...]) + b2_ref[...]
    h2 = _mm(h, w3a_ref[...]) + _mm(q, w3b_ref[...]) + b3_ref[...]
    h2 = jax.nn.relu(h2)
    o_ref[...] = _mm(h2, w4_ref[...]) + b4_ref[...]


def _sdf_decode(z, query_pos, sdf1, sdf2):
    (W1, b1, _, _), (W2, b2, _, _) = sdf1
    (W3, b3, _, _), (W4, b4, _, _) = sdf2
    B = 512
    grid = NQ // B
    out = pl.pallas_call(
        _sdf_block_kernel,
        grid=(grid,),
        in_specs=[
            pl.BlockSpec((1, 512), lambda i: (0, 0)),
            pl.BlockSpec((B, 3), lambda i: (i, 0)),
            pl.BlockSpec((512, 256), lambda i: (0, 0)),
            pl.BlockSpec((3, 256), lambda i: (0, 0)),
            pl.BlockSpec((1, 256), lambda i: (0, 0)),
            pl.BlockSpec((256, 128), lambda i: (0, 0)),
            pl.BlockSpec((1, 128), lambda i: (0, 0)),
            pl.BlockSpec((128, 64), lambda i: (0, 0)),
            pl.BlockSpec((3, 64), lambda i: (0, 0)),
            pl.BlockSpec((1, 64), lambda i: (0, 0)),
            pl.BlockSpec((64, 1), lambda i: (0, 0)),
            pl.BlockSpec((1, 1), lambda i: (0, 0)),
        ],
        out_specs=pl.BlockSpec((B, 1), lambda i: (i, 0)),
        out_shape=jax.ShapeDtypeStruct((NQ, 1), jnp.float32),
    )(z, query_pos, W1[:512], W1[512:], b1[None], W2, b2[None],
      W3[:128], W3[128:], b3[None], W4, b4[None])
    return jnp.tanh(out)



def _bn_x(h, g, be, valid=None):
    if valid is None:
        axes = tuple(range(h.ndim - 1))
        mean = jnp.mean(h, axis=axes)
        var = jnp.var(h, axis=axes)
    else:
        w = valid[..., None].astype(h.dtype)
        n = jnp.sum(w)
        mean = jnp.sum(h * w, axis=(0, 1)) / n
        var = jnp.sum(((h - mean) ** 2) * w, axis=(0, 1)) / n
    return g * (h - mean) / jnp.sqrt(var + 1e-5) + be


def _apply_mlp_x(h, layers, valid=None):
    n = len(layers)
    for i, (W, b, g, be) in enumerate(layers):
        h = h @ W + b
        if i < n - 1:
            if g is not None:
                h = _bn_x(h, g, be, valid)
            h = jax.nn.relu(h)
    return h


def kernel(x, pos, batch, query_pos, params, eps):
    idx1 = _fps(pos, N1)
    pos1 = pos[idx1]
    nbr1, val1 = _radius_nn(pos, pos1, R1, K)
    idx2 = _fps(pos1, N2)
    pos2 = pos1[idx2]
    nbr2, val2 = _radius_nn(pos1, pos2, R2, K)

    fa1 = x[nbr1]
    fb1 = pos[nbr1] - pos1[:, None, :]
    h = _apply_mlp_x(jnp.concatenate([fa1, fb1], axis=-1), params['sa1'], val1)
    x1 = jnp.max(jnp.where(val1[..., None], h, -1e10), axis=1)

    fa2 = x1[nbr2]
    fb2 = pos1[nbr2] - pos2[:, None, :]
    h2 = _apply_mlp_x(jnp.concatenate([fa2, fb2], axis=-1), params['sa2'], val2)
    x2 = jnp.max(jnp.where(val2[..., None], h2, -1e10), axis=1)

    h3 = _apply_mlp_x(jnp.concatenate([x2, pos2], axis=1), params['sa3'])
    xg = jnp.max(h3, axis=0, keepdims=True)
    enc = _apply_mlp_x(xg, params['enc'])
    mu = _apply_mlp_x(enc, params['mu'])
    logvar = _apply_mlp_x(enc, params['lv'])
    z = mu + eps * jnp.exp(0.5 * logvar)

    out = _sdf_decode(z, query_pos, params['sdf1'], params['sdf2'])
    return out, mu, logvar

# --- scband reference (transcript-rebuilt; emitter-appended) ---
"""Pipeline reference for scband-net-47270410060342 (READ-ONLY COPY).

The authoritative reference and input builder live on the scoring server;
editing this copy changes nothing except your own understanding.
"""

import jax, jax.numpy as jnp
import numpy as np

N = 4096      # input points (single point cloud, batch all zeros)
N1 = 2048     # fps ratio 0.5
N2 = 512      # fps ratio 0.25
K = 128       # max_num_neighbors
R1, R2 = 0.2, 0.5
NQ = 4096     # SDF query points


def _mk_lin(key, fin, fout):
    k1, k2 = jax.random.split(key)
    s = 1.0 / np.sqrt(fin)
    W = jax.random.uniform(k1, (fin, fout), minval=-s, maxval=s, dtype=jnp.float32)
    b = jax.random.uniform(k2, (fout,), minval=-s, maxval=s, dtype=jnp.float32)
    return W, b


def _mk_mlp(key, dims, bn):
    ks = jax.random.split(key, len(dims))
    layers = []
    for i, (fin, fout) in enumerate(dims):
        W, b = _mk_lin(ks[i], fin, fout)
        if bn and i < len(dims) - 1:
            layers.append((W, b, jnp.ones((fout,), jnp.float32), jnp.zeros((fout,), jnp.float32)))
        else:
            layers.append((W, b, None, None))
    return layers


def setup_inputs(seed: int = 0):
    key = jax.random.key(seed)
    ks = jax.random.split(key, 16)
    x = jax.random.uniform(ks[0], (N, 1), dtype=jnp.float32)
    pos = jax.random.uniform(ks[1], (N, 3), dtype=jnp.float32)  # unit cube so radius graph is well-populated
    batch = jnp.zeros((N,), dtype=jnp.int32)  # single graph
    query_pos = jax.random.uniform(ks[2], (NQ, 3), dtype=jnp.float32)
    params = {
        'sa1': _mk_mlp(ks[3], [(4, 64), (64, 64), (64, 128)], True),
        'sa2': _mk_mlp(ks[4], [(131, 128), (128, 128), (128, 256)], True),
        'sa3': _mk_mlp(ks[5], [(259, 256), (256, 512), (512, 1024)], True),
        'enc': _mk_mlp(ks[6], [(1024, 512)], False),
        'mu': _mk_mlp(ks[7], [(512, 512)], False),
        'lv': _mk_mlp(ks[8], [(512, 512)], False),
        'sdf1': _mk_mlp(ks[9], [(515, 256), (256, 128)], False),
        'sdf2': _mk_mlp(ks[10], [(131, 64), (64, 1)], False),
    }
    eps = jax.random.normal(ks[11], (1, 512), dtype=jnp.float32)  # reparametrization noise (fixed for determinism)
    return {'x': x, 'pos': pos, 'batch': batch, 'query_pos': query_pos, 'params': params, 'eps': eps}


def fps(pos, n_samples):
    n = pos.shape[0]
    def body(i, state):
        idx, dists = state
        last = pos[idx[i - 1]]
        d = jnp.sum((pos - last) ** 2, axis=1)
        dists = jnp.minimum(dists, d)
        nxt = jnp.argmax(dists).astype(jnp.int32)
        return (idx.at[i].set(nxt), dists)
    idx0 = jnp.zeros((n_samples,), dtype=jnp.int32)
    dists0 = jnp.full((n,), jnp.inf, dtype=pos.dtype)
    idx, _ = jax.lax.fori_loop(1, n_samples, body, (idx0, dists0))
    return idx


def radius_nn(pos_src, pos_q, r, k):
    d2 = jnp.sum((pos_q[:, None, :] - pos_src[None, :, :]) ** 2, axis=-1)
    neg = jnp.where(d2 <= r * r, -d2, -jnp.inf)
    vals, nbr = jax.lax.top_k(neg, k)
    valid = vals > -jnp.inf
    return jnp.where(valid, nbr, 0).astype(jnp.int32), valid


def _bn(h, g, be, valid=None):
    # training-mode batch norm over the edge/node batch dimension(s)
    if valid is None:
        axes = tuple(range(h.ndim - 1))
        mean = jnp.mean(h, axis=axes)
        var = jnp.var(h, axis=axes)
    else:
        w = valid[..., None].astype(h.dtype)
        n = jnp.sum(w)
        mean = jnp.sum(h * w, axis=(0, 1)) / n
        var = jnp.sum(((h - mean) ** 2) * w, axis=(0, 1)) / n
    return g * (h - mean) / jnp.sqrt(var + 1e-5) + be


def apply_mlp(h, layers, valid=None):
    # torch_geometric MLP with plain_last=True (last layer: linear only; dropout in eval = no-op)
    n = len(layers)
    for i, (W, b, g, be) in enumerate(layers):
        h = h @ W + b
        if i < n - 1:
            if g is not None:
                h = _bn(h, g, be, valid)
            h = jax.nn.relu(h)
    return h


def _forward(x, pos, query_pos, params, eps, idx1, nbr1, val1, idx2, nbr2, val2):
    # SA1: PointNetConv message = nn(cat([x_j, pos_j - pos_i])), max aggregation
    pos1 = pos[idx1]
    feat = jnp.concatenate([x[nbr1], pos[nbr1] - pos1[:, None, :]], axis=-1)
    h = apply_mlp(feat, params['sa1'], val1)
    x1 = jnp.max(jnp.where(val1[..., None], h, -1e10), axis=1)
    # SA2
    pos2 = pos1[idx2]
    feat2 = jnp.concatenate([x1[nbr2], pos1[nbr2] - pos2[:, None, :]], axis=-1)
    h2 = apply_mlp(feat2, params['sa2'], val2)
    x2 = jnp.max(jnp.where(val2[..., None], h2, -1e10), axis=1)
    # SA3: global max pool (single graph)
    h3 = apply_mlp(jnp.concatenate([x2, pos2], axis=1), params['sa3'])
    xg = jnp.max(h3, axis=0, keepdims=True)
    # VAE head
    enc = apply_mlp(xg, params['enc'])
    mu = apply_mlp(enc, params['mu'])
    logvar = apply_mlp(enc, params['lv'])
    z = mu + eps * jnp.exp(0.5 * logvar)
    # SDF decoder
    zq = jnp.tile(z, (query_pos.shape[0], 1))
    hq = apply_mlp(jnp.concatenate([zq, query_pos], axis=-1), params['sdf1'])
    hq = apply_mlp(jnp.concatenate([hq, query_pos], axis=-1), params['sdf2'])
    out = jnp.tanh(hq)
    return out, mu, logvar


def reference(x, pos, batch, query_pos, params, eps):
    idx1 = fps(pos, N1)
    pos1 = pos[idx1]
    nbr1, val1 = radius_nn(pos, pos1, R1, K)
    idx2 = fps(pos1, N2)
    pos2 = pos1[idx2]
    nbr2, val2 = radius_nn(pos1, pos2, R2, K)
    return _forward(x, pos, query_pos, params, eps, idx1, nbr1, val1, idx2, nbr2, val2)

if __name__ == "__main__":
    import jax
    _d = setup_inputs()
    print(jax.jit(kernel)(*tuple(_d.values())))

</pallas_src>

<mosaic_0001>
module attributes {stable_mosaic.version = 14 : i64} {
  func.func @_fps_body(%arg0: memref<4x4096xf32, #tpu.memory_space<vmem>>, %arg1: memref<2048xi32, #tpu.memory_space<smem>>) attributes {dimension_semantics = [], scalar_prefetch = 0 : i64, scratch_operands = 0 : i64, tpu.core_type = #tpu.core_type<tc>} {
    %get3A = arith.constant 0 : index
    %get3A_0 = arith.constant 0 : index
    %get3A_1 = vector.load %arg0[%get3A, %get3A_0] : memref<4x4096xf32, #tpu.memory_space<vmem>>, vector<1x4096xf32>
    %get3A_2 = arith.constant 1 : index
    %get3A_3 = arith.constant 0 : index
    %get3A_4 = vector.load %arg0[%get3A_2, %get3A_3] : memref<4x4096xf32, #tpu.memory_space<vmem>>, vector<1x4096xf32>
    %get3A_5 = arith.constant 2 : index
    %get3A_6 = arith.constant 0 : index
    %get3A_7 = vector.load %arg0[%get3A_5, %get3A_6] : memref<4x4096xf32, #tpu.memory_space<vmem>>, vector<1x4096xf32>
    %iota3A = tpu.iota {dimensions = array<i32: 1>} : vector<1x4096xi32>
    %swap3A = arith.constant 0 : i32
    %swap3A_8 = arith.constant 0 : index
    %swap3A_9 = memref.load %arg1[%swap3A_8] : memref<2048xi32, #tpu.memory_space<smem>>
    memref.store %swap3A, %arg1[%swap3A_8] : memref<2048xi32, #tpu.memory_space<smem>>
    %eq3A = arith.constant 0 : i32
    %eq3A_10 = vector.broadcast %eq3A : i32 to vector<1x4096xi32>
    %eq3A_11 = arith.cmpi eq, %iota3A, %eq3A_10 : vector<1x4096xi32>
    %convert_element_type3A = arith.extui %eq3A_11 : vector<1x4096xi1> to vector<1x4096xi32>
    %convert_element_type3A_12 = arith.sitofp %convert_element_type3A : vector<1x4096xi32> to vector<1x4096xf32>
    %mul3A = arith.mulf %get3A_1, %convert_element_type3A_12 : vector<1x4096xf32>
    %reduce_sum3A = vector.shape_cast %mul3A : vector<1x4096xf32> to vector<1x1x4096xf32>
    %reduce_sum3A_13 = arith.constant dense<0.000000e+00> : vector<1xf32>
    %reduce_sum3A_14 = vector.multi_reduction <add>, %reduce_sum3A, %reduce_sum3A_13 [1, 2] : vector<1x1x4096xf32> to vector<1xf32>
    %reduce_sum3A_15 = vector.shape_cast %reduce_sum3A_14 : vector<1xf32> to vector<1x1x1xf32>
    %reduce_sum3A_16 = vector.extract %reduce_sum3A_15[0, 0, 0] : f32 from vector<1x1x1xf32>
    %mul3A_17 = arith.mulf %get3A_4, %convert_element_type3A_12 : vector<1x4096xf32>
    %reduce_sum3A_18 = vector.shape_cast %mul3A_17 : vector<1x4096xf32> to vector<1x1x4096xf32>
    %reduce_sum3A_19 = arith.constant dense<0.000000e+00> : vector<1xf32>
    %reduce_sum3A_20 = vector.multi_reduction <add>, %reduce_sum3A_18, %reduce_sum3A_19 [1, 2] : vector<1x1x4096xf32> to vector<1xf32>
    %reduce_sum3A_21 = vector.shape_cast %reduce_sum3A_20 : vector<1xf32> to vector<1x1x1xf32>
    %reduce_sum3A_22 = vector.extract %reduce_sum3A_21[0, 0, 0] : f32 from vector<1x1x1xf32>
    %mul3A_23 = arith.mulf %get3A_7, %convert_element_type3A_12 : vector<1x4096xf32>
    %reduce_sum3A_24 = vector.shape_cast %mul3A_23 : vector<1x4096xf32> to vector<1x1x4096xf32>
    %reduce_sum3A_25 = arith.constant dense<0.000000e+00> : vector<1xf32>
    %reduce_sum3A_26 = vector.multi_reduction <add>, %reduce_sum3A_24, %reduce_sum3A_25 [1, 2] : vector<1x1x4096xf32> to vector<1xf32>
    %reduce_sum3A_27 = vector.shape_cast %reduce_sum3A_26 : vector<1xf32> to vector<1x1x1xf32>
    %reduce_sum3A_28 = vector.extract %reduce_sum3A_27[0, 0, 0] : f32 from vector<1x1x1xf32>
    %broadcast_in_dim3A = arith.constant 0x7F800000 : f32
    %broadcast_in_dim3A_29 = vector.broadcast %broadcast_in_dim3A : f32 to vector<1x4096xf32>
    %scan3A = arith.constant 1 : i32
    %scan3A_30 = arith.constant 2047 : i32
    %scan3A_31 = arith.addi %scan3A, %scan3A_30 : i32
    %scan3A_32 = arith.constant 1 : i32
    %scan3A_33:4 = scf.for %scan3A_35 = %scan3A to %scan3A_31 step %scan3A_32 iter_args(%scan3A_36 = %reduce_sum3A_16, %scan3A_37 = %reduce_sum3A_22, %scan3A_38 = %reduce_sum3A_28, %scan3A_39 = %broadcast_in_dim3A_29) -> (f32, f32, f32, vector<1x4096xf32>)  : i32 {
      %sub3A = vector.broadcast %scan3A_36 : f32 to vector<1x4096xf32>
      %sub3A_40 = arith.subf %get3A_1, %sub3A : vector<1x4096xf32>
      %integer_pow3A = arith.mulf %sub3A_40, %sub3A_40 : vector<1x4096xf32>
      %sub3A_41 = vector.broadcast %scan3A_37 : f32 to vector<1x4096xf32>
      %sub3A_42 = arith.subf %get3A_4, %sub3A_41 : vector<1x4096xf32>
      %integer_pow3A_43 = arith.mulf %sub3A_42, %sub3A_42 : vector<1x4096xf32>
      %add3A = arith.addf %integer_pow3A, %integer_pow3A_43 : vector<1x4096xf32>
      %sub3A_44 = vector.broadcast %scan3A_38 : f32 to vector<1x4096xf32>
      %sub3A_45 = arith.subf %get3A_7, %sub3A_44 : vector<1x4096xf32>
      %integer_pow3A_46 = arith.mulf %sub3A_45, %sub3A_45 : vector<1x4096xf32>
      %add3A_47 = arith.addf %add3A, %integer_pow3A_46 : vector<1x4096xf32>
      %min3A = arith.minimumf %scan3A_39, %add3A_47 : vector<1x4096xf32>
      %reshape3A = vector.shape_cast %min3A : vector<1x4096xf32> to vector<4096xf32>
      %argmax3A = vector.shape_cast %reshape3A : vector<4096xf32> to vector<1x4096xf32>
      %argmax3A_48 = tpu.reduce_index %argmax3A {axis = 1 : i32, kind = #tpu.reduction_kind<arg_max>} : vector<1x4096xf32> -> vector<1xi32>
      %argmax3A_49 = vector.extract %argmax3A_48[0] : i32 from vector<1xi32>
      %swap3A_50 = arith.index_cast %scan3A_35 : i32 to index
      %swap3A_51 = memref.load %arg1[%swap3A_50] : memref<2048xi32, #tpu.memory_space<smem>>
      memref.store %argmax3A_49, %arg1[%swap3A_50] : memref<2048xi32, #tpu.memory_space<smem>>
      %eq3A_52 = vector.broadcast %argmax3A_49 : i32 to vector<1x4096xi32>
      %eq3A_53 = arith.cmpi eq, %iota3A, %eq3A_52 : vector<1x4096xi32>
      %convert_element_type3A_54 = arith.extui %eq3A_53 : vector<1x4096xi1> to vector<1x4096xi32>
      %convert_element_type3A_55 = arith.sitofp %convert_element_type3A_54 : vector<1x4096xi32> to vector<1x4096xf32>
      %mul3A_56 = arith.mulf %get3A_1, %convert_element_type3A_55 : vector<1x4096xf32>
      %reduce_sum3A_57 = vector.shape_cast %mul3A_56 : vector<1x4096xf32> to vector<1x1x4096xf32>
      %reduce_sum3A_58 = arith.constant dense<0.000000e+00> : vector<1xf32>
      %reduce_sum3A_59 = vector.multi_reduction <add>, %reduce_sum3A_57, %reduce_sum3A_58 [1, 2] : vector<1x1x4096xf32> to vector<1xf32>
      %reduce_sum3A_60 = vector.shape_cast %reduce_sum3A_59 : vector<1xf32> to vector<1x1x1xf32>
      %reduce_sum3A_61 = vector.extract %reduce_sum3A_60[0, 0, 0] : f32 from vector<1x1x1xf32>
      %mul3A_62 = arith.mulf %get3A_4, %convert_element_type3A_55 : vector<1x4096xf32>
      %reduce_sum3A_63 = vector.shape_cast %mul3A_62 : vector<1x4096xf32> to vector<1x1x4096xf32>
      %reduce_sum3A_64 = arith.constant dense<0.000000e+00> : vector<1xf32>
      %reduce_sum3A_65 = vector.multi_reduction <add>, %reduce_sum3A_63, %reduce_sum3A_64 [1, 2] : vector<1x1x4096xf32> to vector<1xf32>
      %reduce_sum3A_66 = vector.shape_cast %reduce_sum3A_65 : vector<1xf32> to vector<1x1x1xf32>
      %reduce_sum3A_67 = vector.extract %reduce_sum3A_66[0, 0, 0] : f32 from vector<1x1x1xf32>
      %mul3A_68 = arith.mulf %get3A_7, %convert_element_type3A_55 : vector<1x4096xf32>
      %reduce_sum3A_69 = vector.shape_cast %mul3A_68 : vector<1x4096xf32> to vector<1x1x4096xf32>
      %reduce_sum3A_70 = arith.constant dense<0.000000e+00> : vector<1xf32>
      %reduce_sum3A_71 = vector.multi_reduction <add>, %reduce_sum3A_69, %reduce_sum3A_70 [1, 2] : vector<1x1x4096xf32> to vector<1xf32>
      %reduce_sum3A_72 = vector.shape_cast %reduce_sum3A_71 : vector<1xf32> to vector<1x1x1xf32>
      %reduce_sum3A_73 = vector.extract %reduce_sum3A_72[0, 0, 0] : f32 from vector<1x1x1xf32>
      scf.yield %reduce_sum3A_61, %reduce_sum3A_67, %reduce_sum3A_73, %min3A : f32, f32, f32, vector<1x4096xf32>
    }
    %scan3A_34 = arith.constant 2047 : i32
    return
  }
}

module attributes {stable_mosaic.version = 14 : i64} {
  func.func @_fps_body(%arg0: memref<4x2048xf32, #tpu.memory_space<vmem>>, %arg1: memref<512xi32, #tpu.memory_space<smem>>) attributes {dimension_semantics = [], scalar_prefetch = 0 : i64, scratch_operands = 0 : i64, tpu.core_type = #tpu.core_type<tc>} {
    %get3A = arith.constant 0 : index
    %get3A_0 = arith.constant 0 : index
    %get3A_1 = vector.load %arg0[%get3A, %get3A_0] : memref<4x2048xf32, #tpu.memory_space<vmem>>, vector<1x2048xf32>
    %get3A_2 = arith.constant 1 : index
    %get3A_3 = arith.constant 0 : index
    %get3A_4 = vector.load %arg0[%get3A_2, %get3A_3] : memref<4x2048xf32, #tpu.memory_space<vmem>>, vector<1x2048xf32>
    %get3A_5 = arith.constant 2 : index
    %get3A_6 = arith.constant 0 : index
    %get3A_7 = vector.load %arg0[%get3A_5, %get3A_6] : memref<4x2048xf32, #tpu.memory_space<vmem>>, vector<1x2048xf32>
    %iota3A = tpu.iota {dimensions = array<i32: 1>} : vector<1x2048xi32>
    %swap3A = arith.constant 0 : i32
    %swap3A_8 = arith.constant 0 : index
    %swap3A_9 = memref.load %arg1[%swap3A_8] : memref<512xi32, #tpu.memory_space<smem>>
    memref.store %swap3A, %arg1[%swap3A_8] : memref<512xi32, #tpu.memory_space<smem>>
    %eq3A = arith.constant 0 : i32
    %eq3A_10 = vector.broadcast %eq3A : i32 to vector<1x2048xi32>
    %eq3A_11 = arith.cmpi eq, %iota3A, %eq3A_10 : vector<1x2048xi32>
    %convert_element_type3A = arith.extui %eq3A_11 : vector<1x2048xi1> to vector<1x2048xi32>
    %convert_element_type3A_12 = arith.sitofp %convert_element_type3A : vector<1x2048xi32> to vector<1x2048xf32>
    %mul3A = arith.mulf %get3A_1, %convert_element_type3A_12 : vector<1x2048xf32>
    %reduce_sum3A = vector.shape_cast %mul3A : vector<1x2048xf32> to vector<1x1x2048xf32>
    %reduce_sum3A_13 = arith.constant dense<0.000000e+00> : vector<1xf32>
    %reduce_sum3A_14 = vector.multi_reduction <add>, %reduce_sum3A, %reduce_sum3A_13 [1, 2] : vector<1x1x2048xf32> to vector<1xf32>
    %reduce_sum3A_15 = vector.shape_cast %reduce_sum3A_14 : vector<1xf32> to vector<1x1x1xf32>
    %reduce_sum3A_16 = vector.extract %reduce_sum3A_15[0, 0, 0] : f32 from vector<1x1x1xf32>
    %mul3A_17 = arith.mulf %get3A_4, %convert_element_type3A_12 : vector<1x2048xf32>
    %reduce_sum3A_18 = vector.shape_cast %mul3A_17 : vector<1x2048xf32> to vector<1x1x2048xf32>
    %reduce_sum3A_19 = arith.constant dense<0.000000e+00> : vector<1xf32>
    %reduce_sum3A_20 = vector.multi_reduction <add>, %reduce_sum3A_18, %reduce_sum3A_19 [1, 2] : vector<1x1x2048xf32> to vector<1xf32>
    %reduce_sum3A_21 = vector.shape_cast %reduce_sum3A_20 : vector<1xf32> to vector<1x1x1xf32>
    %reduce_sum3A_22 = vector.extract %reduce_sum3A_21[0, 0, 0] : f32 from vector<1x1x1xf32>
    %mul3A_23 = arith.mulf %get3A_7, %convert_element_type3A_12 : vector<1x2048xf32>
    %reduce_sum3A_24 = vector.shape_cast %mul3A_23 : vector<1x2048xf32> to vector<1x1x2048xf32>
    %reduce_sum3A_25 = arith.constant dense<0.000000e+00> : vector<1xf32>
    %reduce_sum3A_26 = vector.multi_reduction <add>, %reduce_sum3A_24, %reduce_sum3A_25 [1, 2] : vector<1x1x2048xf32> to vector<1xf32>
    %reduce_sum3A_27 = vector.shape_cast %reduce_sum3A_26 : vector<1xf32> to vector<1x1x1xf32>
    %reduce_sum3A_28 = vector.extract %reduce_sum3A_27[0, 0, 0] : f32 from vector<1x1x1xf32>
    %broadcast_in_dim3A = arith.constant 0x7F800000 : f32
    %broadcast_in_dim3A_29 = vector.broadcast %broadcast_in_dim3A : f32 to vector<1x2048xf32>
    %scan3A = arith.constant 1 : i32
    %scan3A_30 = arith.constant 511 : i32
    %scan3A_31 = arith.addi %scan3A, %scan3A_30 : i32
    %scan3A_32 = arith.constant 1 : i32
    %scan3A_33:4 = scf.for %scan3A_35 = %scan3A to %scan3A_31 step %scan3A_32 iter_args(%scan3A_36 = %reduce_sum3A_16, %scan3A_37 = %reduce_sum3A_22, %scan3A_38 = %reduce_sum3A_28, %scan3A_39 = %broadcast_in_dim3A_29) -> (f32, f32, f32, vector<1x2048xf32>)  : i32 {
      %sub3A = vector.broadcast %scan3A_36 : f32 to vector<1x2048xf32>
      %sub3A_40 = arith.subf %get3A_1, %sub3A : vector<1x2048xf32>
      %integer_pow3A = arith.mulf %sub3A_40, %sub3A_40 : vector<1x2048xf32>
      %sub3A_41 = vector.broadcast %scan3A_37 : f32 to vector<1x2048xf32>
      %sub3A_42 = arith.subf %get3A_4, %sub3A_41 : vector<1x2048xf32>
      %integer_pow3A_43 = arith.mulf %sub3A_42, %sub3A_42 : vector<1x2048xf32>
      %add3A = arith.addf %integer_pow3A, %integer_pow3A_43 : vector<1x2048xf32>
      %sub3A_44 = vector.broadcast %scan3A_38 : f32 to vector<1x2048xf32>
      %sub3A_45 = arith.subf %get3A_7, %sub3A_44 : vector<1x2048xf32>
      %integer_pow3A_46 = arith.mulf %sub3A_45, %sub3A_45 : vector<1x2048xf32>
      %add3A_47 = arith.addf %add3A, %integer_pow3A_46 : vector<1x2048xf32>
      %min3A = arith.minimumf %scan3A_39, %add3A_47 : vector<1x2048xf32>
      %reshape3A = vector.shape_cast %min3A : vector<1x2048xf32> to vector<2048xf32>
      %argmax3A = vector.shape_cast %reshape3A : vector<2048xf32> to vector<1x2048xf32>
      %argmax3A_48 = tpu.reduce_index %argmax3A {axis = 1 : i32, kind = #tpu.reduction_kind<arg_max>} : vector<1x2048xf32> -> vector<1xi32>
      %argmax3A_49 = vector.extract %argmax3A_48[0] : i32 from vector<1xi32>
      %swap3A_50 = arith.index_cast %scan3A_35 : i32 to index
      %swap3A_51 = memref.load %arg1[%swap3A_50] : memref<512xi32, #tpu.memory_space<smem>>
      memref.store %argmax3A_49, %arg1[%swap3A_50] : memref<512xi32, #tpu.memory_space<smem>>
      %eq3A_52 = vector.broadcast %argmax3A_49 : i32 to vector<1x2048xi32>
      %eq3A_53 = arith.cmpi eq, %iota3A, %eq3A_52 : vector<1x2048xi32>
      %convert_element_type3A_54 = arith.extui %eq3A_53 : vector<1x2048xi1> to vector<1x2048xi32>
      %convert_element_type3A_55 = arith.sitofp %convert_element_type3A_54 : vector<1x2048xi32> to vector<1x2048xf32>
      %mul3A_56 = arith.mulf %get3A_1, %convert_element_type3A_55 : vector<1x2048xf32>
      %reduce_sum3A_57 = vector.shape_cast %mul3A_56 : vector<1x2048xf32> to vector<1x1x2048xf32>
      %reduce_sum3A_58 = arith.constant dense<0.000000e+00> : vector<1xf32>
      %reduce_sum3A_59 = vector.multi_reduction <add>, %reduce_sum3A_57, %reduce_sum3A_58 [1, 2] : vector<1x1x2048xf32> to vector<1xf32>
      %reduce_sum3A_60 = vector.shape_cast %reduce_sum3A_59 : vector<1xf32> to vector<1x1x1xf32>
      %reduce_sum3A_61 = vector.extract %reduce_sum3A_60[0, 0, 0] : f32 from vector<1x1x1xf32>
      %mul3A_62 = arith.mulf %get3A_4, %convert_element_type3A_55 : vector<1x2048xf32>
      %reduce_sum3A_63 = vector.shape_cast %mul3A_62 : vector<1x2048xf32> to vector<1x1x2048xf32>
      %reduce_sum3A_64 = arith.constant dense<0.000000e+00> : vector<1xf32>
      %reduce_sum3A_65 = vector.multi_reduction <add>, %reduce_sum3A_63, %reduce_sum3A_64 [1, 2] : vector<1x1x2048xf32> to vector<1xf32>
      %reduce_sum3A_66 = vector.shape_cast %reduce_sum3A_65 : vector<1xf32> to vector<1x1x1xf32>
      %reduce_sum3A_67 = vector.extract %reduce_sum3A_66[0, 0, 0] : f32 from vector<1x1x1xf32>
      %mul3A_68 = arith.mulf %get3A_7, %convert_element_type3A_55 : vector<1x2048xf32>
      %reduce_sum3A_69 = vector.shape_cast %mul3A_68 : vector<1x2048xf32> to vector<1x1x2048xf32>
      %reduce_sum3A_70 = arith.constant dense<0.000000e+00> : vector<1xf32>
      %reduce_sum3A_71 = vector.multi_reduction <add>, %reduce_sum3A_69, %reduce_sum3A_70 [1, 2] : vector<1x1x2048xf32> to vector<1xf32>
      %reduce_sum3A_72 = vector.shape_cast %reduce_sum3A_71 : vector<1xf32> to vector<1x1x1xf32>
      %reduce_sum3A_73 = vector.extract %reduce_sum3A_72[0, 0, 0] : f32 from vector<1x1x1xf32>
      scf.yield %reduce_sum3A_61, %reduce_sum3A_67, %reduce_sum3A_73, %min3A : f32, f32, f32, vector<1x2048xf32>
    }
    %scan3A_34 = arith.constant 511 : i32
    return
  }
}

module attributes {stable_mosaic.version = 14 : i64} {
  func.func @_sdf_block_kernel(%arg0: i32, %arg1: memref<1x512xf32, #tpu.memory_space<vmem>>, %arg2: memref<512x3xf32, #tpu.memory_space<vmem>>, %arg3: memref<512x256xf32, #tpu.memory_space<vmem>>, %arg4: memref<3x256xf32, #tpu.memory_space<vmem>>, %arg5: memref<1x256xf32, #tpu.memory_space<vmem>>, %arg6: memref<256x128xf32, #tpu.memory_space<vmem>>, %arg7: memref<1x128xf32, #tpu.memory_space<vmem>>, %arg8: memref<128x64xf32, #tpu.memory_space<vmem>>, %arg9: memref<3x64xf32, #tpu.memory_space<vmem>>, %arg10: memref<1x64xf32, #tpu.memory_space<vmem>>, %arg11: memref<64x1xf32, #tpu.memory_space<vmem>>, %arg12: memref<1x1xf32, #tpu.memory_space<vmem>>, %arg13: memref<512x1xf32, #tpu.memory_space<vmem>>) attributes {dimension_semantics = [#tpu.dimension_semantics<arbitrary>], iteration_bounds = array<i64: 8>, scalar_prefetch = 0 : i64, scratch_operands = 0 : i64, tpu.core_type = #tpu.core_type<tc>, window_params = [{pipeline_mode = #tpu.pipeline_mode<synchronous>, transform_indices = @transform_0, window_bounds = array<i64: 1, 512>}, {transform_indices = @transform_1, window_bounds = array<i64: 512, 3>}, {pipeline_mode = #tpu.pipeline_mode<synchronous>, transform_indices = @transform_2, window_bounds = array<i64: 512, 256>}, {pipeline_mode = #tpu.pipeline_mode<synchronous>, transform_indices = @transform_3, window_bounds = array<i64: 3, 256>}, {pipeline_mode = #tpu.pipeline_mode<synchronous>, transform_indices = @transform_4, window_bounds = array<i64: 1, 256>}, {pipeline_mode = #tpu.pipeline_mode<synchronous>, transform_indices = @transform_5, window_bounds = array<i64: 256, 128>}, {pipeline_mode = #tpu.pipeline_mode<synchronous>, transform_indices = @transform_6, window_bounds = array<i64: 1, 128>}, {pipeline_mode = #tpu.pipeline_mode<synchronous>, transform_indices = @transform_7, window_bounds = array<i64: 128, 64>}, {pipeline_mode = #tpu.pipeline_mode<synchronous>, transform_indices = @transform_8, window_bounds = array<i64: 3, 64>}, {pipeline_mode = #tpu.pipeline_mode<synchronous>, transform_indices = @transform_9, window_bounds = array<i64: 1, 64>}, {pipeline_mode = #tpu.pipeline_mode<synchronous>, transform_indices = @transform_10, window_bounds = array<i64: 64, 1>}, {pipeline_mode = #tpu.pipeline_mode<synchronous>, transform_indices = @transform_11, window_bounds = array<i64: 1, 1>}, {transform_indices = @transform_12, window_bounds = array<i64: 512, 1>}]} {
    %get3A = arith.constant 0 : index
    %get3A_0 = arith.constant 0 : index
    %get3A_1 = vector.load %arg2[%get3A, %get3A_0] : memref<512x3xf32, #tpu.memory_space<vmem>>, vector<512x3xf32>
    %get3A_2 = arith.constant 0 : index
    %get3A_3 = arith.constant 0 : index
    %get3A_4 = vector.load %arg1[%get3A_2, %get3A_3] : memref<1x512xf32, #tpu.memory_space<vmem>>, vector<1x512xf32>
    %get3A_5 = arith.constant 0 : index
    %get3A_6 = arith.constant 0 : index
    %get3A_7 = vector.load %arg3[%get3A_5, %get3A_6] : memref<512x256xf32, #tpu.memory_space<vmem>>, vector<512x256xf32>
    %dot_general3A = arith.constant dense<0.000000e+00> : vector<1x256xf32>
    %dot_general3A_8 = tpu.matmul %get3A_4, %get3A_7, %dot_general3A {dimension_numbers = #tpu.dot_dimension_numbers<[1], [0], [0], [1], [0, 0, 1, 1], [], []>, transpose_lhs_hint = false} : vector<1x512xf32>, vector<512x256xf32>, vector<1x256xf32> -> vector<1x256xf32>
    %get3A_9 = arith.constant 0 : index
    %get3A_10 = arith.constant 0 : index
    %get3A_11 = vector.load %arg4[%get3A_9, %get3A_10] : memref<3x256xf32, #tpu.memory_space<vmem>>, vector<3x256xf32>
    %dot_general3A_12 = arith.constant dense<0.000000e+00> : vector<512x256xf32>
    %dot_general3A_13 = tpu.matmul %get3A_1, %get3A_11, %dot_general3A_12 {dimension_numbers = #tpu.dot_dimension_numbers<[1], [0], [0], [1], [0, 0, 1, 1], [], []>, transpose_lhs_hint = false} : vector<512x3xf32>, vector<3x256xf32>, vector<512x256xf32> -> vector<512x256xf32>
    %add3A = vector.broadcast %dot_general3A_8 : vector<1x256xf32> to vector<512x256xf32>
    %add3A_14 = arith.addf %add3A, %dot_general3A_13 : vector<512x256xf32>
    %get3A_15 = arith.constant 0 : index
    %get3A_16 = arith.constant 0 : index
    %get3A_17 = vector.load %arg5[%get3A_15, %get3A_16] : memref<1x256xf32, #tpu.memory_space<vmem>>, vector<1x256xf32>
    %add3A_18 = vector.broadcast %get3A_17 : vector<1x256xf32> to vector<512x256xf32>
    %add3A_19 = arith.addf %add3A_14, %add3A_18 : vector<512x256xf32>
    %max3A = arith.constant 0.000000e+00 : f32
    %max3A_20 = vector.broadcast %max3A : f32 to vector<512x256xf32>
    %max3A_21 = arith.maximumf %add3A_19, %max3A_20 : vector<512x256xf32>
    %get3A_22 = arith.constant 0 : index
    %get3A_23 = arith.constant 0 : index
    %get3A_24 = vector.load %arg6[%get3A_22, %get3A_23] : memref<256x128xf32, #tpu.memory_space<vmem>>, vector<256x128xf32>
    %dot_general3A_25 = arith.constant dense<0.000000e+00> : vector<512x128xf32>
    %dot_general3A_26 = tpu.matmul %max3A_21, %get3A_24, %dot_general3A_25 {dimension_numbers = #tpu.dot_dimension_numbers<[1], [0], [0], [1], [0, 0, 1, 1], [], []>, transpose_lhs_hint = false} : vector<512x256xf32>, vector<256x128xf32>, vector<512x128xf32> -> vector<512x128xf32>
    %get3A_27 = arith.constant 0 : index
    %get3A_28 = arith.constant 0 : index
    %get3A_29 = vector.load %arg7[%get3A_27, %get3A_28] : memref<1x128xf32, #tpu.memory_space<vmem>>, vector<1x128xf32>
    %add3A_30 = vector.broadcast %get3A_29 : vector<1x128xf32> to vector<512x128xf32>
    %add3A_31 = arith.addf %dot_general3A_26, %add3A_30 : vector<512x128xf32>
    %get3A_32 = arith.constant 0 : index
    %get3A_33 = arith.constant 0 : index
    %get3A_34 = vector.load %arg8[%get3A_32, %get3A_33] : memref<128x64xf32, #tpu.memory_space<vmem>>, vector<128x64xf32>
    %dot_general3A_35 = arith.constant dense<0.000000e+00> : vector<512x64xf32>
    %dot_general3A_36 = tpu.matmul %add3A_31, %get3A_34, %dot_general3A_35 {dimension_numbers = #tpu.dot_dimension_numbers<[1], [0], [0], [1], [0, 0, 1, 1], [], []>, transpose_lhs_hint = false} : vector<512x128xf32>, vector<128x64xf32>, vector<512x64xf32> -> vector<512x64xf32>
    %get3A_37 = arith.constant 0 : index
    %get3A_38 = arith.constant 0 : index
    %get3A_39 = vector.load %arg9[%get3A_37, %get3A_38] : memref<3x64xf32, #tpu.memory_space<vmem>>, vector<3x64xf32>
    %dot_general3A_40 = arith.constant dense<0.000000e+00> : vector<512x64xf32>
    %dot_general3A_41 = tpu.matmul %get3A_1, %get3A_39, %dot_general3A_40 {dimension_numbers = #tpu.dot_dimension_numbers<[1], [0], [0], [1], [0, 0, 1, 1], [], []>, transpose_lhs_hint = false} : vector<512x3xf32>, vector<3x64xf32>, vector<512x64xf32> -> vector<512x64xf32>
    %add3A_42 = arith.addf %dot_general3A_36, %dot_general3A_41 : vector<512x64xf32>
    %get3A_43 = arith.constant 0 : index
    %get3A_44 = arith.constant 0 : index
    %get3A_45 = vector.load %arg10[%get3A_43, %get3A_44] : memref<1x64xf32, #tpu.memory_space<vmem>>, vector<1x64xf32>
    %add3A_46 = vector.broadcast %get3A_45 : vector<1x64xf32> to vector<512x64xf32>
    %add3A_47 = arith.addf %add3A_42, %add3A_46 : vector<512x64xf32>
    %max3A_48 = arith.constant 0.000000e+00 : f32
    %max3A_49 = vector.broadcast %max3A_48 : f32 to vector<512x64xf32>
    %max3A_50 = arith.maximumf %add3A_47, %max3A_49 : vector<512x64xf32>
    %get3A_51 = arith.constant 0 : index
    %get3A_52 = arith.constant 0 : index
    %get3A_53 = vector.load %arg11[%get3A_51, %get3A_52] : memref<64x1xf32, #tpu.memory_space<vmem>>, vector<64x1xf32>
    %dot_general3A_54 = arith.constant dense<0.000000e+00> : vector<512x1xf32>
    %dot_general3A_55 = tpu.matmul %max3A_50, %get3A_53, %dot_general3A_54 {dimension_numbers = #tpu.dot_dimension_numbers<[1], [0], [0], [1], [0, 0, 1, 1], [], []>, transpose_lhs_hint = false} : vector<512x64xf32>, vector<64x1xf32>, vector<512x1xf32> -> vector<512x1xf32>
    %get3A_56 = arith.constant 0 : index
    %get3A_57 = arith.constant 0 : index
    %get3A_58 = vector.load %arg12[%get3A_56, %get3A_57] : memref<1x1xf32, #tpu.memory_space<vmem>>, vector<1x1xf32>
    %add3A_59 = vector.broadcast %get3A_58 : vector<1x1xf32> to vector<512x1xf32>
    %add3A_60 = arith.addf %dot_general3A_55, %add3A_59 : vector<512x1xf32>
    %swap3A = arith.constant 0 : index
    %swap3A_61 = arith.constant 0 : index
    %swap3A_62 = vector.load %arg13[%swap3A, %swap3A_61] : memref<512x1xf32, #tpu.memory_space<vmem>>, vector<512x1xf32>
    tpu.vector_store %arg13[%swap3A, %swap3A_61], %add3A_60 {strides = array<i32>} : memref<512x1xf32, #tpu.memory_space<vmem>>, vector<512x1xf32>,
    return
  }
  func.func @transform_0(%arg0: i32) -> (i32, i32) {
    %c0_i32 = arith.constant 0 : i32
    %c0_i32_0 = arith.constant 0 : i32
    %c0_i32_1 = arith.constant 0 : i32
    return %c0_i32, %c0_i32_0 : i32, i32
  }
  func.func @transform_1(%arg0: i32) -> (i32, i32) {
    %c0_i32 = arith.constant 0 : i32
    %c0_i32_0 = arith.constant 0 : i32
    return %arg0, %c0_i32 : i32, i32
  }
  func.func @transform_2(%arg0: i32) -> (i32, i32) {
    %c0_i32 = arith.constant 0 : i32
    %c0_i32_0 = arith.constant 0 : i32
    %c0_i32_1 = arith.constant 0 : i32
    return %c0_i32, %c0_i32_0 : i32, i32
  }
  func.func @transform_3(%arg0: i32) -> (i32, i32) {
    %c0_i32 = arith.constant 0 : i32
    %c0_i32_0 = arith.constant 0 : i32
    %c0_i32_1 = arith.constant 0 : i32
    return %c0_i32, %c0_i32_0 : i32, i32
  }
  func.func @transform_4(%arg0: i32) -> (i32, i32) {
    %c0_i32 = arith.constant 0 : i32
    %c0_i32_0 = arith.constant 0 : i32
    %c0_i32_1 = arith.constant 0 : i32
    return %c0_i32, %c0_i32_0 : i32, i32
  }
  func.func @transform_5(%arg0: i32) -> (i32, i32) {
    %c0_i32 = arith.constant 0 : i32
    %c0_i32_0 = arith.constant 0 : i32
    %c0_i32_1 = arith.constant 0 : i32
    return %c0_i32, %c0_i32_0 : i32, i32
  }
  func.func @transform_6(%arg0: i32) -> (i32, i32) {
    %c0_i32 = arith.constant 0 : i32
    %c0_i32_0 = arith.constant 0 : i32
    %c0_i32_1 = arith.constant 0 : i32
    return %c0_i32, %c0_i32_0 : i32, i32
  }
  func.func @transform_7(%arg0: i32) -> (i32, i32) {
    %c0_i32 = arith.constant 0 : i32
    %c0_i32_0 = arith.constant 0 : i32
    %c0_i32_1 = arith.constant 0 : i32
    return %c0_i32, %c0_i32_0 : i32, i32
  }
  func.func @transform_8(%arg0: i32) -> (i32, i32) {
    %c0_i32 = arith.constant 0 : i32
    %c0_i32_0 = arith.constant 0 : i32
    %c0_i32_1 = arith.constant 0 : i32
    return %c0_i32, %c0_i32_0 : i32, i32
  }
  func.func @transform_9(%arg0: i32) -> (i32, i32) {
    %c0_i32 = arith.constant 0 : i32
    %c0_i32_0 = arith.constant 0 : i32
    %c0_i32_1 = arith.constant 0 : i32
    return %c0_i32, %c0_i32_0 : i32, i32
  }
  func.func @transform_10(%arg0: i32) -> (i32, i32) {
    %c0_i32 = arith.constant 0 : i32
    %c0_i32_0 = arith.constant 0 : i32
    %c0_i32_1 = arith.constant 0 : i32
    return %c0_i32, %c0_i32_0 : i32, i32
  }
  func.func @transform_11(%arg0: i32) -> (i32, i32) {
    %c0_i32 = arith.constant 0 : i32
    %c0_i32_0 = arith.constant 0 : i32
    %c0_i32_1 = arith.constant 0 : i32
    return %c0_i32, %c0_i32_0 : i32, i32
  }
  func.func @transform_12(%arg0: i32) -> (i32, i32) {
    %c0_i32 = arith.constant 0 : i32
    %c0_i32_0 = arith.constant 0 : i32
    return %arg0, %c0_i32 : i32, i32
  }
}

</mosaic_0001>

<sc_bundles>
// kernel: gather_offload_async_start
scs
__scs_entry_jumppad:
0x0: {  	(pc) =	sbr.rel $0x88, $3  }
0x1: {  	(tag) =	ssettag $0x0;
	lr =	simm.s32 $0x1  }
0x2: {  	[smem:$0x3F71] =	sst lr;
	_ =	strace $0xD0000000  }
0x3: {  	_ = 	snop  }
0x4: {  	_ = 	snop  }
0x5: {  	_ = 	snop  }
0x6: {  	_ = 	snop  }
0x7: {  	_ = 	snop  }
__scs_overlays_trampoline_lowered:
0x8: {  	[smem:$0x3F80] =	sst s0  }
0x9: {  	[smem:$0x3F81] =	sst s1  }
0xa: {  	[smem:$0x3F82] =	sst s2  }
0xb: {  	[smem:$0x3F83] =	sst s3  }
0xc: {  	[smem:$0x3F84] =	sst s4  }
0xd: {  	[smem:$0x3F85] =	sst s5  }
0xe: {  	[smem:$0x3F86] =	sst s6  }
0xf: {  	[smem:$0x3F87] =	sst s7  }
0x10: {  	[smem:$0x3F88] =	sst s8  }
0x11: {  	[smem:$0x3F89] =	sst s9;
	s0 =	simm.s32 @!p0 $0x0  }
0x12: {  	s1 =	sld [smem:$0x3F6F];
	s0 =	simm.s32 @p0 $0x1  }
0x13: {  	[smem:$0x3F8A] =	sst s0;
	s0 =	simm.s32 @!p1 $0x0  }
0x14: {  	s2 =	sld [smem:$0x3F6E];
	s0 =	simm.s32 @p1 $0x1  }
0x15: {  	[smem:$0x3F8B] =	sst s0;
	s0 =	simm.s32 @!p2 $0x0  }
0x16: {  	s3 =	sld [smem:$0x3FDB];
	s0 =	simm.s32 @p2 $0x1  }
0x17: {  	s4 =	simm.s32 $0x1BF5;
	[smem:$0x3F8D] =	sst s0  }
0x18: {  	s0 =	sld [smem:$0x3F70];
	_ =	swait.ge [sflag:s4], $0x0  }
0x19: {  	s7 =	sld [smem:$0x3F71]  }
0x1a: {  	s8 =	sadd.s32 $0xFFFFE003, lr  }
0x1b: {  	s9 =	sadd.s32 $0xFFFFFEF7, lr;
	s5 =	simm.s32 $0xFFFFFFFF;
	p2 =	slt.u32 s8, $0xFFFFF086  }
0x1c: {  	p1 =	slt.u32 s9, $0xF7A;
	s5 =	simm.s32 @!p2 $0x0  }
0x1d: {  	s5 =	simm.s32 @p1 $0x1;
	p0 =	seq.s32 s7, s2  }
0x1e: {  	s7 =	smul.u32 @!p0 $0xF7A, s2;
	p2 =	seq.s32 @!p0 s5, $0x0  }
0x1f: {  	s9 =	smul.u32 $0xF7A, s1;
	s8 =	simm.s32 @!p0 $0x1BF5;
	p2 =	por !p2, p0  }
0x20: {  	[sflag:s8] =	ssyncset.s32 @!p0 $0xFFFFF086;
	s6 =	sadd.s32 @!p0 s3, s7;
	s7 =	simm.s32 @!p0 $0x108  }
0x21: {  	s3 =	sadd.s32 s3, s9;
	s6 =	sadd.s32 @!p0 $0x88, s6;
	s7 =	simm.s32 @p2 $0x1082  }
0x22: {  	[simem:s7], [sflag:s8] =	dma.local @!p0 [hbm:s6], $0xF7A  }
0x23: {  	s9 =	sor.u32 $0xD0000000, s2;
	s6 =	simm.s32 $0x108;
	_ =	swait.ge @!p0 [sflag:s8], $0x0  }
0x24: {  	s3 =	sadd.s32 $0x88, s3;
	s6 =	simm.s32 @!p1 $0x1082;
	[sflag:s4] =	ssyncset.s32 $0xFFFFF086  }
0x25: {  	[simem:s6], [sflag:s4] =	dma.local [hbm:s3], $0xF7A  }
0x26: {  	[smem:$0x3F71] =	sst s1;
	(tag) =	ssettag s2;
	_ =	strace s9  }
0x27: {  	s1 =	sld [smem:$0x3F81]  }
0x28: {  	s2 =	sld [smem:$0x3F82]  }
0x29: {  	s4 =	sld [smem:$0x3F84]  }
0x2a: {  	p0 =	seq.s32 s5, $0x0;
	s5 =	sld [smem:$0x3F85]  }
0x2b: {  	s6 =	sld [smem:$0x3F86]  }
0x2c: {  	s7 =	sld [smem:$0x3F87]  }
0x2d: {  	s3 =	simm.s32 $0x108;
	s8 =	sld [smem:$0x3F88]  }
0x2e: {  	s3 =	simm.s32 @!p0 $0x1082;
	s9 =	sld [smem:$0x3F89]  }
0x2f: {  	lr =	sadd.s32 s0, s3;
	s0 =	sld [smem:$0x3F80]  }
0x30: {  	s3 =	sld [smem:$0x3F83]  }
0x31: {  	[smem:$0x3F8C] =	sst s10  }
0x32: {  	s10 =	sld [smem:$0x3F8A];
	_ =	sdelay $0x3  }
0x33: {  	p0 =	seq.s32 s10, $0x1;
	s10 =	sld [smem:$0x3F8C];
	_ =	sdelay $0x3  }
0x34: {  	[smem:$0x3F8C] =	sst s10  }
0x35: {  	s10 =	sld [smem:$0x3F8B];
	_ =	sdelay $0x3  }
0x36: {  	p1 =	seq.s32 s10, $0x1;
	s10 =	sld [smem:$0x3F8C];
	_ =	sdelay $0x3  }
0x37: {  	[smem:$0x3F8C] =	sst s10  }
0x38: {  	s10 =	sld [smem:$0x3F8D]  }
0x39: {  	_ = 	snop;
	(pc) =	sbr.ind lr, $3  }
0x3a: {  	_ = 	snop  }
0x3b: {  	_ = 	snop  }
0x3c: {  	p2 =	seq.s32 s10, $0x1;
	s10 =	sld [smem:$0x3F8C]  }
0x3d: {  	_ =	shalt  }
0x3e: {  	_ =	shalt  }
0x3f: {  	_ =	shalt  }
0x40: {  	_ =	shalt  }
0x41: {  	_ =	shalt  }
0x42: {  	_ =	shalt  }
0x43: {  	_ =	shalt  }
0x44: {  	_ =	shalt  }
0x45: {  	_ =	shalt  }
0x46: {  	_ =	shalt  }
0x47: {  	_ =	shalt  }
0x48: {  	_ =	shalt  }
0x49: {  	_ =	shalt  }
0x4a: {  	_ =	shalt  }
0x4b: {  	_ =	shalt  }
0x4c: {  	_ =	shalt  }
0x4d: {  	_ =	shalt  }
0x4e: {  	_ =	shalt  }
0x4f: {  	_ =	shalt  }
0x50: {  	_ =	shalt  }
0x51: {  	_ =	shalt  }
0x52: {  	_ =	shalt  }
0x53: {  	_ =	shalt  }
0x54: {  	_ =	shalt  }
0x55: {  	_ =	shalt  }
0x56: {  	_ =	shalt  }
0x57: {  	_ =	shalt  }
0x58: {  	_ =	shalt  }
0x59: {  	_ =	shalt  }
0x5a: {  	_ =	shalt  }
0x5b: {  	_ =	shalt  }
0x5c: {  	_ =	shalt  }
0x5d: {  	_ =	shalt  }
0x5e: {  	_ =	shalt  }
0x5f: {  	_ =	shalt  }
0x60: {  	_ =	shalt  }
0x61: {  	_ =	shalt  }
0x62: {  	_ =	shalt  }
0x63: {  	_ =	shalt  }
0x64: {  	_ =	shalt  }
0x65: {  	_ =	shalt  }
0x66: {  	_ =	shalt  }
0x67: {  	_ =	shalt  }
0x68: {  	_ =	shalt  }
0x69: {  	_ =	shalt  }
0x6a: {  	_ =	shalt  }
0x6b: {  	_ =	shalt  }
0x6c: {  	_ =	shalt  }
0x6d: {  	_ =	shalt  }
0x6e: {  	_ =	shalt  }
0x6f: {  	_ =	shalt  }
0x70: {  	_ =	shalt  }
0x71: {  	_ =	shalt  }
0x72: {  	_ =	shalt  }
0x73: {  	_ =	shalt  }
0x74: {  	_ =	shalt  }
0x75: {  	_ =	shalt  }
0x76: {  	_ =	shalt  }
0x77: {  	_ =	shalt  }
0x78: {  	_ =	shalt  }
0x79: {  	_ =	shalt  }
0x7a: {  	_ =	shalt  }
0x7b: {  	_ =	shalt  }
0x7c: {  	_ =	shalt  }
0x7d: {  	_ =	shalt  }
0x7e: {  	_ =	shalt  }
0x7f: {  	_ =	shalt  }
0x80: {  	_ =	shalt  }
0x81: {  	_ =	shalt  }
0x82: {  	_ =	shalt  }
0x83: {  	_ =	shalt  }
0x84: {  	_ =	shalt  }
0x85: {  	_ =	shalt  }
0x86: {  	_ =	shalt  }
0x87: {  	_ =	shalt  }
.Lfunc_end0:
.L_simem_size_0:
called_computation.1_lowered:
.L_overlay_start_0:
0x88: {  	s2 =	sld [smem:$0x3FD9]  }
0x89: {  	s3 =	sld [smem:$0x3FFE];
	_ =	sdelay $0x1  }
0x8a: {  	s1 =	srdreg.scid  }
0x8b: {  	s0 =	sand.u32 $0x1, s1  }
0x8c: {  	s14 =	sshll.u32 s0, $0xA;
	s2 =	sadd.s32 s3, s2  }
0x8d: {  	s2 =	sadd.s32 s2, s14  }
0x8e: {  	[smem:$0x3F98] =	sst s2  }
0x8f: {  	_ = 	snop  }
0x90: {  	s2 =	sld [smem:$0x3FD0];
	_ =	sdelay $0x2  }
0x91: {  	s15 =	simm.s32 $0xA;
	s4 =	simm.s32 $0x10  }
0x92: {  	[smem:s4], [sflag:s15] =	dma.local [hbm:s2], $0x1  }
0x93: {  	_ =	swait.eq [sflag:s15], $0x1  }
0x94: {  	[sflag:s15] =	ssyncset.done $0x0  }
0x95: {  	[sflag:s15] =	ssyncadd.s32 $0xFFFFFFFF  }
0x96: {  	s16 =	sld [smem:$0x10];
	(tm) =	ssettm $0x1  }
0x97: {  	s17 =	sld [smem:$0x3FFB];
	_ =	sdelay $0x3  }
0x98: {  	_ =	strace s17  }
0x99: {  	s3 =	sld [smem:$0x3FFC];
	_ =	sdelay $0x3  }
0x9a: {  	_ =	strace s3  }
0x9b: {  	s3 =	sld [smem:$0x3FFD];
	_ =	sdelay $0x3  }
0x9c: {  	_ =	strace s3  }
0x9d: {  	_ =	strace $0x8FFFFFFF  }
0x9e: {  	s18 =	sld [smem:$0x3FDB];
	_ =	sdelay $0x1  }
0x9f: {  	s19 =	simm.s32 $_scs_section_size  }
0xa0: {  	s5 =	simm.s32 $_size__tile_overlayer_lowered;
	s6 =	simm.s32 $_tile_overlayer_lowered  }
0xa1: {  	s22 =	simm.s32 $0x1BFF;
	s21 =	sshll.u32 s6, $0x1;
	s3 =	sadd.s32 s19, s18  }
0xa2: {  	s7 =	simm.s32 $0x0;
	s20 =	sshll.u32 s5, $0x1;
	s5 =	sadd.s32 s21, s3  }
0xa3: {  	[timem:s7], [sflag:s22] =	dma.local [hbm:s5], s20  }
0xa4: {  	_ =	swait.ge [sflag:s22], s20  }
0xa5: {  	s4 =	ssub.s32 $0x0, s20;
	[sflag:s22] =	ssyncset.done $0x0  }
0xa6: {  	[sflag:s22] =	ssyncadd.s32 s4;
	_ =	sdelay $0x1  }
0xa7: {  	s23 =	simm.s32 $0x1B8B  }
0xa8: {  	_ =	swait.ge [sflag:s23], $0x1  }
0xa9: {  	[sflag:s23] =	ssyncset.done $0x0  }
0xaa: {  	s25 =	simm.s32 $0x1B8E;
	s24 =	sld [smem:$0x3FFE];
	[sflag:s23] =	ssyncadd.s32 $0xFFFFFFFF  }
0xab: {  	s26 =	simm.s32 $execute0_lowered;
	[smem:$0x3FD2] =	sst s25  }
0xac: {  	s5 =	sshll.u32 s26, $0x1;
	_ =	strace $0x80000046;
	[dreg:$0x1] =	wrdreg $0xFFFFFFFF  }
0xad: {  	s28 =	simm.s32 $_size_execute0_lowered;
	s3 =	sadd.s32 s3, s5;
	[dreg:$0x0] =	wrdreg $0x0  }
0xae: {  	s5 =	sshll.u32 s28, $0x1;
	[dreg:$0x2] =	wrdreg s3  }
0xaf: {  	[dreg:$0x3] =	wrdreg s5  }
0xb0: {  	[dreg:$0x4] =	wrdreg $0xC0  }
0xb1: {  	_ =	task [dreg:s7], $0x5FFFF  }
0xb2: {  	[dreg:$0x1] =	wrdreg $0xFFFFFFFF  }
0xb3: {  	[dreg:$0x0] =	wrdreg $0x60  }
0xb4: {  	[dreg:$0x2] =	wrdreg s24  }
0xb5: {  	[dreg:$0x3] =	wrdreg s16  }
0xb6: {  	[dreg:$0x4] =	wrdreg $0x9  }
0xb7: {  	_ =	task.clear_ibuf [dreg:s7], $0x5FFFF;
	_ =	strace $0x90000046  }
0xb8: {  	s29 =	simm.s32 $0x9;
	_ =	strace $0x80000048  }
0xb9: {  	_ =	swait.ge [sflag:s29], $0x1  }
0xba: {  	[sflag:s29] =	ssyncadd.s32 $0xFFFFFFFF  }
0xbb: {  	_ =	strace $0x90000048  }
0xbc: {  	_ =	sfence  }
0xbd: {  	s30 =	sld [smem:$0x0];
	_ =	sdelay $0x2  }
0xbe: {  	s31 =	sshll.u32 s1, $0xD;
	s1 =	sshrl.u32 s1, $0x2  }
0xbf: {  	s3 =	sand.u32 $0x4000, s31;
	s1 =	sadd.s32 s1, s30  }
0xc0: {  	s0 =	sor.u32 s3, s0;
	s1 =	sshll.u32 s1, $0x11  }
0xc1: {  	s0 =	sor.u32 s1, s0  }
0xc2: {  	s0 =	sadd.s32 $0x8F2B, s0  }
0xc3: {  	[sflag:s0] =	ssyncadd.remote.s32 $0x1  }
0xc4: {  	_ =	sfence.sel $0xFFFF  }
0xc5: {  	[dreg:$0x0] =	wrdreg $0xFFFFFFFF;
	(pc) =	sbr.abs _section_cstart, $3  }
0xc6: {  	[dreg:$0x1] =	wrdreg $0xFFFFFFFF  }
0xc7: {  	_ =	task.clear_ibuf [dreg:s7], $0x2FFFF;
	_ =	strace $0x9FFFFFFF  }
0xc8: {  	(tm) =	ssettm $0x7FFFFFFF  }
0xc9: {  	_ =	shalt  }
tec
execute0_lowered:
.L_overlay_start_1:
0x0: {  	(tag) =	ssettag $0x1  }
0x1: {  	s2 =	rddreg [dreg:$0x0]  }
0x2: {  	s3 =	rddreg [dreg:$0x1]  }
0x3: {  	s0 =	rddreg [dreg:$0x2];
	s1 =	srdreg.scid;
	_ =	strace $0x80000047  }
0x4: {  	s4 =	simm.s32 $0x1;
	s9 =	simm.s32 $0x3;
	s5 =	sshll.u32 s1, $0x4  }
.Ltmp0:
0x5: {  	s1 =	stileid.u32;
	s5 =	sand.u32 $0x10, s5;
	(pc) =	sbr.rel .LBB2_1-.Ltmp0, $4  }
0x6: {  	s12 =	simm.s32 $0x0;
	s10 =	simm.s32 $0x0;
	s6 =	sor.u32 s1, s5  }
0x7: {  	[sflag:s4] =	ssyncpa.u1 $0x0;
	s5 =	simm.s32 $0x2;
	s6 =	sshll.u32 s6, $0x6  }
0x8: {  	s7 =	sadd.s32 $0x10000, s2;
	[sflag:s5] =	ssyncpa.u1 $0x0;
	s8 =	sadd.s32 $0x40, s6  }
0x9: {  	vm0 =	vmmov $0xff;
	vm1 =	vcmask $0x3F20;
	[sflag:s9] =	ssyncpa.u1 $0x0;
	s9 =	simm.s32 $0x40;
	s11 =	smov.u32 s6  }
.LBB2_9:
0xa: {  	p0 =	seq.s32 s10, $0x2  }
.Ltmp1:
0xb: {  	_ = 	snop;
	(pc) =	sbr.rel @p0 .LBB2_11-.Ltmp1, $1  }
0xc: {  	_ =	sdelay $0x3  }
.LBB2_10:
0xd: {  	s12 =	sadd.s32 $0x40, s11  }
0xe: {  	s13 =	smov.u32 s6;
	p0 =	slt.s32 s12, s8  }
0xf: {  	s13 =	smov.u32 @p0 s12  }
0x10: {  	s10 =	sadd.s32 $0x1, s10;
	s12 =	smov.u32 s11;
	s11 =	smov.u32 s13  }
.LBB2_1:
0x11: {  	p0 =	sne.s32 s10, $0x0  }
.Ltmp2:
0x12: {  	_ = 	snop;
	(pc) =	sbr.rel @!p0 .LBB2_2-.Ltmp2, $1  }
0x13: {  	_ =	sdelay $0x3  }
0x14: {  	s13 =	sand.u32 $0x1, s10  }
0x15: {  	p0 =	seq.s32 s13, $0x0  }
.Ltmp3:
0x16: {  	_ = 	snop;
	(pc) =	sbr.rel @p0 .LBB2_9-.Ltmp3, $1  }
0x17: {  	_ =	sdelay $0x3  }
0x18: {  	_ =	swait.ge [sflag:s5], $0x40  }
0x19: {  	[sflag:s5] =	ssyncset.done $0x0  }
0x1a: {  	s13 =	simm.s32 $0x0;
	[sflag:s5] =	ssyncadd.s32 $0xFFFFFFC0  }
0x1b: {  	v0 =	vld.msk [tilespmem:s13+$0x40 ss:$0x1], $0xffff;
	_ =	sdelay $0x4  }
0x1c: {  	vm2 =	vgt.s32 v0, $0x0  }
0x1d: {  	v0 =	vnsel vm2, $0x0, v0  }
0x1e: {  	v0 =	vmin.u32 v0, $0xFFF  }
0x1f: {  	v0 =	vshll.u32 v0, $0x4;
	_ =	sdelay $0x3  }
0x20: {  	s13 =	simm.s32 $0x2080  }
0x21: {  	[tilespmem:s13], [sflag:$0x1] =	stream.indirect_vreg.gather [hbm:s2], $0x80, v0, vm0, $0x38;
	[tilespmem:$0x4080] =	vst v63  }
0x22: {  	s14 =	simm.s32 $0x2480;
	s31 =	simm.s32 $0x10  }
0x23: {  	[tilespmem:s14], [sflag:$0x1] =	stream.indirect_vreg.gather [hbm:s2], $0x80, v0, vm1, $0x38;
	[tilespmem:$0x4080] =	vst v63  }
0x24: {  	s14 =	simm.s32 $0x80;
	v0 =	vld.msk [tilespmem:s31+$0x40 ss:$0x1], $0xffff  }
.LBB2_5:
0x25: {  	p0 =	sne.s32 s14, $0xC0;
	_ =	sdelay $0x4  }
0x26: {  	vm2 =	vgt.s32 v0, $0x0  }
0x27: {  	v0 =	vnsel vm2, $0x0, v0  }
0x28: {  	v0 =	vmin.u32 v0, $0xFFF  }
0x29: {  	v0 =	vshll.u32 v0, $0x4;
	_ =	sdelay $0x3  }
.Ltmp4:
0x2a: {  	s13 =	sadd.s32 $0x800, s13;
	(pc) =	sbr.rel @p0 .LBB2_5-.Ltmp4, $4  }
0x2b: {  	[tilespmem:s13], [sflag:$0x1] =	stream.indirect_vreg.gather [hbm:s2], $0x80, v0, vm0, $0x38;
	[tilespmem:$0x4080] =	vst v63  }
0x2c: {  	s15 =	sshra.s32 s14, $0x2;
	s16 =	sadd.s32 $0x400, s13  }
0x2d: {  	[tilespmem:s16], [sflag:$0x1] =	stream.indirect_vreg.gather [hbm:s2], $0x80, v0, vm1, $0x38;
	[tilespmem:$0x4080] =	vst v63  }
0x2e: {  	s14 =	sadd.s32 $0x40, s14;
	v0 =	vld.msk [tilespmem:s15+$0x40 ss:$0x1], $0xffff  }
0x2f: {  	_ =	sdelay $0x3  }
0x30: {  	vm2 =	vgt.s32 v0, $0x0  }
0x31: {  	v0 =	vnsel vm2, $0x0, v0  }
0x32: {  	v0 =	vmin.u32 v0, $0xFFF  }
0x33: {  	v0 =	vshll.u32 v0, $0x4;
	_ =	sdelay $0x3  }
0x34: {  	s13 =	sadd.s32 $0x800, s13  }
0x35: {  	[tilespmem:s13], [sflag:$0x1] =	stream.indirect_vreg.gather [hbm:s2], $0x80, v0, vm0, $0x38;
	[tilespmem:$0x4080] =	vst v63  }
0x36: {  	s13 =	sadd.s32 $0x400, s13  }
0x37: {  	[tilespmem:s13], [sflag:$0x1] =	stream.indirect_vreg.gather [hbm:s2], $0x80, v0, vm1, $0x38;
	[tilespmem:$0x4080] =	vst v63  }
0x38: {  	s12 =	sshll.u32 s12, $0x4;
	s14 =	simm.s32 $0x80;
	_ =	swait.ge [sflag:s4], $0x2000  }
0x39: {  	s15 =	simm.s32 $0x2480;
	s12 =	sadd.s32 s12, s7;
	[sflag:s4] =	ssyncset.done $0x0  }
0x3a: {  	s16 =	sadd.s32 $0x0, s12;
	s13 =	simm.s32 $0x2080;
	[sflag:s4] =	ssyncadd.s32 $0xFFFFE000  }
.LBB2_7:
0x3b: {  	[hbm:s16] =	stream.linear.scatter [tilespmem:s13], [sflag:$0x3], $0x400, $0x38;
	[tilespmem:$0x4080] =	vst v63  }
0x3c: {  	s16 =	smov.u32 s14;
	s13 =	smov.u32 s15;
	p0 =	sne.s32 s14, $0x380  }
.Ltmp5:
0x3d: {  	s14 =	sadd.s32 $0x80, s14;
	(pc) =	sbr.rel @p0 .LBB2_7-.Ltmp5, $2  }
0x3e: {  	_ =	sdelay $0x2  }
0x3f: {  	s15 =	sadd.s32 $0x400, s15;
	s16 =	sadd.s32 s16, s12  }
.Ltmp6:
0x40: {  	(pc) =	sbr.rel .LBB2_9-.Ltmp6, $2  }
0x41: {  	_ =	sdelay $0x2  }
0x42: {  	[hbm:s16] =	stream.linear.scatter [tilespmem:s13], [sflag:$0x3], $0x400, $0x38;
	[tilespmem:$0x4080] =	vst v63  }
.LBB2_2:
.Ltmp7:
0x43: {  	(pc) =	sbr.rel .LBB2_10-.Ltmp7, $4  }
0x44: {  	_ = 	snop  }
0x45: {  	s12 =	sshrl.u32 s11, $0x3  }
0x46: {  	s13 =	sand.u32 $0x7, s11;
	s12 =	sadd.s32 s3, s12  }
0x47: {  	[tilespmem:s9], [sflag:$0x2] =	stream.linear.gather [hbm4b:s12+s13], $0x40, $0x38;
	[tilespmem:$0x4080] =	vst v63  }
.LBB2_11:
0x48: {  	s2 =	simm.s32 $0x3  }
0x49: {  	_ =	swait.ge [sflag:s2], $0x2000  }
0x4a: {  	[sflag:s2] =	ssyncset.done $0x0  }
0x4b: {  	[sflag:s2] =	ssyncadd.s32 $0xFFFFE000  }
0x4c: {  	_ =	sfence.sel $0x180000  }
0x4d: {  	s3 =	simm.s32 $0x2;
	[bflag:$0x0] =	sbarrier.arrive $0xFFFF  }
0x4e: {  	[sflag:s3] =	ssyncpa.u1 $0x1  }
0x4f: {  	s31 =	simm.s32 $0x1;
	[sflag:s2] =	ssyncpa.u1 $0x1  }
0x50: {  	[sflag:s31] =	ssyncpa.u1 $0x1  }
0x51: {  	p0 =	sne.s32 s1, $0x0;
	_ =	strace $0x90000047  }
0x52: {  	s0 =	sadd.s32 @!p0 $0x100000, s0;
	[bflag:$0x2] =	sbarrier.arrive $0xFFFF  }
0x53: {  	[sflag:s0] =	ssyncadd.tile.s32 @!p0 $0x1;
	_ =	shalt  }
.Lfunc_end2:
_tile_overlayer_lowered:
.L_overlay_start_2:
0x54: {  	(tag) =	ssettag $0x2  }
0x55: {  	s0 =	rddreg [dreg:$0x0];
	s2 =	stileid.u32  }
0x56: {  	s1 =	rddreg [dreg:$0x1];
	p0 =	sne.s32 s2, $0x0  }
0x57: {  	s3 =	rddreg [dreg:$0x2];
	[bflag:$0x3] =	sbarrier.arrive $0xFFFF;
	s2 =	simm.s32 @!p0 $0x1C01  }
0x58: {  	[timem:s3], [sflag:s2] =	dma.local @!p0 [hbm:s0], s1  }
0x59: {  	s0 =	simm.s32 @!p0 $0x1  }
0x5a: {  	_ =	swait.ge @!p0 [sflag:s0], s1  }
0x5b: {  	s1 =	ssub.s32 @!p0 $0x0, s1;
	[sflag:s0] =	ssyncset.done @!p0 $0x0  }
0x5c: {  	[sflag:s0] =	ssyncadd.s32 @!p0 s1  }
0x5d: {  	[bflag:$0x3] =	sbarrier.arrive $0xFFFF  }
0x5e: {  	_ =	shalt  }

// kernel: sparse-core-data-format-call.cloned.1.call-start
scs
called_computation_lowered:
.L_overlay_start_0:
0x0: {  	s1 =	sld [smem:$0x3FD9]  }
0x1: {  	s2 =	sld [smem:$0x3FFE];
	_ =	sdelay $0x1  }
0x2: {  	s3 =	srdreg.scid  }
0x3: {  	s0 =	sand.u32 $0x1, s3  }
0x4: {  	s17 =	sshll.u32 s0, $0xA;
	s1 =	sadd.s32 s2, s1  }
0x5: {  	s1 =	sadd.s32 s1, s17  }
0x6: {  	[smem:$0x3F98] =	sst s1  }
0x7: {  	_ = 	snop  }
0x8: {  	(tm) =	ssettm $0x1  }
0x9: {  	s18 =	sld [smem:$0x3FFB];
	_ =	sdelay $0x3  }
0xa: {  	_ =	strace s18  }
0xb: {  	s1 =	sld [smem:$0x3FFC];
	_ =	sdelay $0x3  }
0xc: {  	_ =	strace s1  }
0xd: {  	s1 =	sld [smem:$0x3FFD];
	_ =	sdelay $0x3  }
0xe: {  	_ =	strace s1  }
0xf: {  	_ =	strace $0x8FFFFFFF  }
0x10: {  	s19 =	sld [smem:$0x3FDB];
	_ =	sdelay $0x1  }
0x11: {  	s20 =	simm.s32 $_scs_section_size  }
0x12: {  	s4 =	simm.s32 $_size__tile_overlayer_lowered;
	s5 =	simm.s32 $_tile_overlayer_lowered  }
0x13: {  	s23 =	simm.s32 $0x1BFF;
	s22 =	sshll.u32 s5, $0x1;
	s1 =	sadd.s32 s20, s19  }
0x14: {  	s6 =	simm.s32 $0x0;
	s21 =	sshll.u32 s4, $0x1;
	s4 =	sadd.s32 s22, s1  }
0x15: {  	[timem:s6], [sflag:s23] =	dma.local [hbm:s4], s21  }
0x16: {  	_ =	swait.ge [sflag:s23], s21  }
0x17: {  	s2 =	ssub.s32 $0x0, s21;
	[sflag:s23] =	ssyncset.done $0x0  }
0x18: {  	[sflag:s23] =	ssyncadd.s32 s2;
	_ =	sdelay $0x1  }
0x19: {  	s24 =	simm.s32 $0x1B8B  }
0x1a: {  	_ =	swait.ge [sflag:s24], $0x1  }
0x1b: {  	[sflag:s24] =	ssyncset.done $0x0  }
0x1c: {  	s26 =	simm.s32 $0x1B8E;
	s25 =	sld [smem:$0x3FFE];
	[sflag:s24] =	ssyncadd.s32 $0xFFFFFFFF  }
0x1d: {  	s27 =	simm.s32 $execute0_lowered;
	[smem:$0x3FD2] =	sst s26  }
0x1e: {  	s4 =	sshll.u32 s27, $0x1;
	_ =	strace $0x80000049;
	[dreg:$0x1] =	wrdreg $0xFFFFFFFF  }
0x1f: {  	s28 =	simm.s32 $_size_execute0_lowered;
	s1 =	sadd.s32 s1, s4;
	[dreg:$0x0] =	wrdreg $0x0  }
0x20: {  	s4 =	sshll.u32 s28, $0x1;
	[dreg:$0x2] =	wrdreg s1  }
0x21: {  	[dreg:$0x3] =	wrdreg s4  }
0x22: {  	[dreg:$0x4] =	wrdreg $0xC0  }
0x23: {  	_ =	task [dreg:s6], $0x5FFFF  }
0x24: {  	[dreg:$0x1] =	wrdreg $0xFFFFFFFF  }
0x25: {  	[dreg:$0x0] =	wrdreg $0x60  }
0x26: {  	[dreg:$0x2] =	wrdreg s25  }
0x27: {  	[dreg:$0x3] =	wrdreg $0x9  }
0x28: {  	_ =	task.clear_ibuf [dreg:s6], $0x4FFFF;
	_ =	strace $0x90000049  }
0x29: {  	s29 =	simm.s32 $0x9;
	_ =	strace $0x8000004B  }
0x2a: {  	_ =	swait.ge [sflag:s29], $0x1  }
0x2b: {  	[sflag:s29] =	ssyncadd.s32 $0xFFFFFFFF  }
0x2c: {  	_ =	strace $0x9000004B  }
0x2d: {  	_ =	sfence  }
0x2e: {  	s30 =	sld [smem:$0x0];
	_ =	sdelay $0x2  }
0x2f: {  	s31 =	sshll.u32 s3, $0xD;
	s3 =	sshrl.u32 s3, $0x2  }
0x30: {  	s2 =	sand.u32 $0x4000, s31;
	s1 =	sadd.s32 s3, s30  }
0x31: {  	s0 =	sor.u32 s2, s0;
	s1 =	sshll.u32 s1, $0x11  }
0x32: {  	s0 =	sor.u32 s1, s0  }
0x33: {  	s0 =	sadd.s32 $0x8F2B, s0  }
0x34: {  	[sflag:s0] =	ssyncadd.remote.s32 $0x1  }
0x35: {  	_ =	sfence.sel $0xFFFF  }
0x36: {  	[dreg:$0x0] =	wrdreg $0xFFFFFFFF;
	(pc) =	sbr.abs _section_cstart, $3  }
0x37: {  	[dreg:$0x1] =	wrdreg $0xFFFFFFFF  }
0x38: {  	_ =	task.clear_ibuf [dreg:s6], $0x2FFFF;
	_ =	strace $0x9FFFFFFF  }
0x39: {  	(tm) =	ssettm $0x7FFFFFFF  }
tec
execute0_lowered:
.L_overlay_start_1:
0x0: {  	(tag) =	ssettag $0x1  }
0x1: {  	s7 =	rddreg [dreg:$0x0]  }
0x2: {  	s1 =	stileid.u32;
	s3 =	srdreg.scid  }
0x3: {  	s0 =	rddreg [dreg:$0x1];
	_ =	strace $0x8000004A;
	s8 =	simm.s32 $0x1  }
0x4: {  	s31 =	simm.s32 $0x2;
	s14 =	simm.s32 $0x0;
	s13 =	simm.s32 $0x0  }
0x5: {  	s12 =	simm.s32 $0x0;
	s2 =	sshll.u32 s1, $0x7;
	s3 =	sshll.u32 s3, $0x7  }
0x6: {  	s3 =	sand.u32 $0x80, s3;
	s4 =	ssub.s32 $0x800, s2;
	s11 =	smov.u32 s2  }
0x7: {  	s5 =	sshrl.u32 s4, $0xB;
	s4 =	sand.u32 $0x780, s4;
	s6 =	ssub.s32 $0x1000, s3  }
0x8: {  	p0 =	sne.s32 s4, $0x0;
	s30 =	sshrl.u32 s6, $0x7;
	s6 =	sshrl.u32 s6, $0x8  }
.Ltmp0:
0x9: {  	s8 =	simm.s32 @!p0 $0x0;
	s9 =	sand.u32 $0x1, s30;
	(pc) =	sbr.rel .LBB1_1-.Ltmp0, $4  }
0xa: {  	s4 =	simm.s32 $0x1;
	s5 =	sadd.s32 s8, s5;
	s6 =	sadd.s32 s6, s9  }
0xb: {  	s10 =	smov.u32 s3;
	[sflag:s4] =	ssyncpa.u1 $0x0;
	s5 =	smul.u32 s5, s6  }
0xc: {  	p0 =	por $0x0, $0x0;
	[sflag:s31] =	ssyncpa.u1 $0x0;
	s9 =	simm.s32 $0x4000  }
0xd: {  	s6 =	sadd.s32 $0x2D200, s7;
	s7 =	sadd.s32 $0x12D200, s7;
	s8 =	sadd.s32 $0x1, s5  }
.LBB1_4:
0xe: {  	v5 =	vld [tilespmem:s17+$0xFFFFFFD0]  }
0xf: {  	[tilespmem:s18+$0x2040 ss:$0x81] =	vst.msk $0xffff, v1;
	v58 =	vld [tilespmem:s17+$0xFFFFFFE0]  }
0x10: {  	[tilespmem:s18+$0x2850 ss:$0x81] =	vst.msk $0xffff, v2;
	v59 =	vld [tilespmem:s17+$0xFFFFFFF0]  }
0x11: {  	s19 =	sshra.s32 s19, $0x2;
	[tilespmem:s18+$0x3060 ss:$0x81] =	vst.msk $0xffff, v3;
	v60 =	vld [tilespmem:s17+$0x0]  }
0x12: {  	[tilespmem:s18+$0x0 ss:$0x81] =	vst.msk $0xffff, v0;
	v61 =	vld [tilespmem:s17+$0x10];
	s16 =	sadd.s32 s19, s16  }
0x13: {  	s26 =	sshll.u32 s14, $0xB;
	v62 =	vld [tilespmem:s17+$0x20];
	[tilespmem:s16+$0x3870 ss:$0x81] =	vst.msk $0xffff, v4  }
0x14: {  	s27 =	sand.u32 $0x78, s13;
	s20 =	sshll.u32 s13, $0x3;
	v63 =	vld [tilespmem:s17+$0xFFFFFFC0];
	s29 =	sshll.u32 s14, $0x7;
	[tilespmem:s16+$0x810 ss:$0x81] =	vst.msk $0xffff, v5  }
0x15: {  	s18 =	sand.u32 $0x7FC000, s26;
	s28 =	sand.u32 $0x7FFC00, s20;
	s20 =	sand.u32 $0x400, s20;
	[tilespmem:s16+$0x1020 ss:$0x81] =	vst.msk $0xffff, v58  }
0x16: {  	s14 =	sand.u32 $0x380, s29;
	s17 =	sadd.s32 s28, s18;
	s30 =	sor.u32 s27, s20;
	[tilespmem:s16+$0x1830 ss:$0x81] =	vst.msk $0xffff, v59  }
0x17: {  	s17 =	sand.u32 $0x7FF800, s17;
	s14 =	sor.u32 s14, s30;
	[tilespmem:s16+$0x2040 ss:$0x81] =	vst.msk $0xffff, v60  }
0x18: {  	s31 =	sand.u32 $0x7, s13;
	s14 =	sor.u32 s17, s14;
	[tilespmem:s16+$0x2850 ss:$0x81] =	vst.msk $0xffff, v61  }
0x19: {  	s13 =	sshll.u32 s31, $0x12;
	[tilespmem:s16+$0x3060 ss:$0x81] =	vst.msk $0xffff, v62;
	s14 =	sshrl.u32 s14, $0x3  }
0x1a: {  	s13 =	sor.u32 $0x400, s13;
	[tilespmem:s16+$0x0 ss:$0x81] =	vst.msk $0xffff, v63;
	s14 =	sadd.s32 s7, s14  }
0x1b: {  	[hbm4b:s14+s13] =	stream.strided.scatter [tilespmem:s15], [sflag:$0x2], $0x4000, s9, s13, $0x20;
	[tilespmem:$0x10100] =	vst v63  }
.LBB1_5:
0x1c: {  	s15 =	sadd.s32 $0x100, s10  }
0x1d: {  	s13 =	sadd.s32 $0x800, s11;
	s17 =	smov.u32 s11;
	p2 =	sgt.s32 s15, $0xFFF  }
0x1e: {  	s17 =	smov.u32 @p2 s13  }
0x1f: {  	s15 =	smov.u32 @p2 s3;
	p2 =	sgt.s32 s17, $0x7FF  }
0x20: {  	s17 =	smov.u32 @p2 s2;
	p2 =	sne.s32 s12, s8  }
.Ltmp1:
0x21: {  	p1 =	slt.u32 s12, $0x2;
	(pc) =	sbr.rel @!p2 .LBB1_6-.Ltmp1, $4  }
0x22: {  	s16 =	simm.s32 @!p1 $0x2  }
0x23: {  	s14 =	smov.u32 s10;
	p0 =	por !p0, !p0;
	_ =	swait.ge @!p1 [sflag:s16], $0x4000  }
0x24: {  	s13 =	smov.u32 s11;
	[sflag:s16] =	ssyncset.done @!p1 $0x0;
	s10 =	smov.u32 s15  }
0x25: {  	s12 =	sadd.s32 $0x1, s12;
	[sflag:s16] =	ssyncadd.s32 @!p1 $0xFFFFC000;
	s11 =	smov.u32 s17  }
.LBB1_1:
0x26: {  	p1 =	sge.u32 s12, s5;
	s31 =	sadd.s32 $0xFFFFFFFF, s12  }
0x27: {  	s15 =	sand.u32 @!p1 $0x78, s10;
	s16 =	sshll.u32 @!p1 s11, $0xC;
	s17 =	sshll.u32 @!p1 s11, $0x7  }
0x28: {  	s18 =	sshll.u32 @!p1 s10, $0x3;
	s16 =	sand.u32 @!p1 $0x7F8000, s16;
	s17 =	sand.u32 @!p1 $0x380, s17  }
0x29: {  	s16 =	sadd.s32 @!p1 s16, s18;
	s18 =	sand.u32 @!p1 $0xC00, s18;
	s15 =	sor.u32 @!p1 s17, s15  }
0x2a: {  	s17 =	sxor.u32 @!p1 $0xFFFFFFFF, s12;
	s16 =	sand.u32 @!p1 $0x7FF000, s16;
	s15 =	sor.u32 @!p1 s18, s15  }
0x2b: {  	s17 =	sshll.u32 @!p1 s17, $0xE;
	s15 =	sor.u32 @!p1 s16, s15;
	s16 =	sand.u32 @!p1 $0x7, s10  }
0x2c: {  	s18 =	simm.s32 @!p1 $0x8000;
	s15 =	sshrl.u32 @!p1 s15, $0x3;
	s16 =	sshll.u32 @!p1 s16, $0x12  }
0x2d: {  	s17 =	sand.u32 @!p1 $0x4000, s17;
	s15 =	sadd.s32 @!p1 s6, s15;
	s16 =	sor.u32 @!p1 $0x400, s16  }
0x2e: {  	[tilespmem:s17], [sflag:$0x1] =	stream.strided.gather @!p1 [hbm4b:s15+s16], $0x4000, s18, s16, $0x38;
	[tilespmem:$0x10100] =	vst v63  }
0x2f: {  	p1 =	sge.u32 s31, s5  }
.Ltmp2:
0x30: {  	_ = 	snop;
	(pc) =	sbr.rel @p1 .LBB1_5-.Ltmp2, $1  }
0x31: {  	_ =	sdelay $0x3  }
0x32: {  	s15 =	simm.s32 $0x1  }
0x33: {  	_ =	swait.ge [sflag:s4], $0x4000;
	s15 =	simm.s32 @!p0 $0x0  }
0x34: {  	[sflag:s4] =	ssyncset.done $0x0;
	s16 =	sshll.u32 s15, $0xE  }
0x35: {  	[sflag:s4] =	ssyncadd.s32 $0xFFFFC000;
	s17 =	sor.u32 $0x40, s16  }
0x36: {  	s15 =	smul.u32 $0x10200, s15;
	v0 =	vld [tilespmem:s17+$0x30]  }
0x37: {  	v3 =	vld [tilespmem:s17+$0xFFFFFFD0]  }
0x38: {  	s15 =	sshrl.u32 s15, $0x2;
	v4 =	vld [tilespmem:s17+$0xFFFFFFE0]  }
0x39: {  	v5 =	vld [tilespmem:s17+$0xFFFFFFF0];
	s16 =	sor.u32 $0x8000, s15  }
0x3a: {  	s31 =	sand.u32 $0x1, s12;
	v1 =	vld [tilespmem:s17+$0x0];
	s18 =	sadd.s32 $0x0, s16  }
0x3b: {  	v2 =	vld [tilespmem:s17+$0x10];
	s15 =	smul.u32 $0x10200, s31;
	[tilespmem:s18+$0x3870 ss:$0x81] =	vst.msk $0xffff, v0  }
0x3c: {  	[tilespmem:s18+$0x810 ss:$0x81] =	vst.msk $0xffff, v3;
	v3 =	vld [tilespmem:s17+$0x20]  }
0x3d: {  	s15 =	sshrl.u32 s15, $0x2;
	v0 =	vld [tilespmem:s17+$0xFFFFFFC0];
	[tilespmem:s18+$0x1020 ss:$0x81] =	vst.msk $0xffff, v4;
	s17 =	sadd.s32 $0x80, s17  }
0x3e: {  	s19 =	simm.s32 $0x4;
	s20 =	simm.s32 $0x8;
	s15 =	sor.u32 $0x8000, s15;
	[tilespmem:s18+$0x1830 ss:$0x81] =	vst.msk $0xffff, v5;
	v4 =	vld [tilespmem:s17+$0x30]  }
.LBB1_3:
0x3f: {  	p1 =	sne.s32 s20, $0x1FC;
	v5 =	vld [tilespmem:s17+$0xFFFFFFD0];
	[tilespmem:s18+$0x2040 ss:$0x81] =	vst.msk $0xffff, v1  }
0x40: {  	v6 =	vld [tilespmem:s17+$0xFFFFFFE0];
	[tilespmem:s18+$0x2850 ss:$0x81] =	vst.msk $0xffff, v2  }
0x41: {  	s21 =	sshra.s32 s19, $0x2;
	s19 =	smov.u32 s20;
	v7 =	vld [tilespmem:s17+$0xFFFFFFF0];
	[tilespmem:s18+$0x3060 ss:$0x81] =	vst.msk $0xffff, v3  }
.Ltmp3:
0x42: {  	v1 =	vld [tilespmem:s17+$0x0];
	[tilespmem:s18+$0x0 ss:$0x81] =	vst.msk $0xffff, v0;
	s18 =	sadd.s32 s21, s16;
	(pc) =	sbr.rel @p1 .LBB1_3-.Ltmp3, $4  }
0x43: {  	v2 =	vld [tilespmem:s17+$0x10];
	[tilespmem:s18+$0x3870 ss:$0x81] =	vst.msk $0xffff, v4  }
0x44: {  	[tilespmem:s18+$0x810 ss:$0x81] =	vst.msk $0xffff, v5;
	v3 =	vld [tilespmem:s17+$0x20]  }
0x45: {  	v0 =	vld [tilespmem:s17+$0xFFFFFFC0];
	[tilespmem:s18+$0x1020 ss:$0x81] =	vst.msk $0xffff, v6;
	s17 =	sadd.s32 $0x80, s17  }
0x46: {  	s20 =	sadd.s32 $0x4, s20;
	v4 =	vld [tilespmem:s17+$0x30];
	[tilespmem:s18+$0x1830 ss:$0x81] =	vst.msk $0xffff, v7  }
.Ltmp4:
0x47: {  	_ = 	snop;
	(pc) =	sbr.rel .LBB1_4-.Ltmp4, $1  }
0x48: {  	_ =	sdelay $0x3  }
.LBB1_6:
0x49: {  	_ =	sfence.sel $0x180000  }
0x4a: {  	s2 =	simm.s32 $0x1;
	[bflag:$0x0] =	sbarrier.arrive $0xFFFF  }
0x4b: {  	s31 =	simm.s32 $0x2;
	[sflag:s2] =	ssyncpa.u1 $0x1  }
0x4c: {  	[sflag:s31] =	ssyncpa.u1 $0x1  }
0x4d: {  	p0 =	sne.s32 s1, $0x0;
	_ =	strace $0x9000004A  }
0x4e: {  	s0 =	sadd.s32 @!p0 $0x100000, s0;
	[bflag:$0x2] =	sbarrier.arrive $0xFFFF  }
0x4f: {  	[sflag:s0] =	ssyncadd.tile.s32 @!p0 $0x1;
	_ =	shalt  }
.Lfunc_end1:
_tile_overlayer_lowered:
.L_overlay_start_2:
0x50: {  	(tag) =	ssettag $0x2  }
0x51: {  	s0 =	rddreg [dreg:$0x0];
	s2 =	stileid.u32  }
0x52: {  	s1 =	rddreg [dreg:$0x1];
	p0 =	sne.s32 s2, $0x0  }
0x53: {  	s3 =	rddreg [dreg:$0x2];
	[bflag:$0x3] =	sbarrier.arrive $0xFFFF;
	s2 =	simm.s32 @!p0 $0x1C01  }
0x54: {  	[timem:s3], [sflag:s2] =	dma.local @!p0 [hbm:s0], s1  }
0x55: {  	s0 =	simm.s32 @!p0 $0x1  }
0x56: {  	_ =	swait.ge @!p0 [sflag:s0], s1  }
0x57: {  	s1 =	ssub.s32 @!p0 $0x0, s1;
	[sflag:s0] =	ssyncset.done @!p0 $0x0  }
0x58: {  	[sflag:s0] =	ssyncadd.s32 @!p0 s1  }
0x59: {  	[bflag:$0x3] =	sbarrier.arrive $0xFFFF  }
0x5a: {  	_ =	shalt  }

</sc_bundles>
